<compile_context>
chip_gen: v7x
topology: tpu7x:2x2x1
jax: 0.10.2.dev20260603
libtpu: 0.0.44.dev20260713+nightly
codegen_flags: <defaults>
</compile_context>

<pallas_src>
import functools

import jax
import jax.numpy as jnp
from jax import lax
from jax.experimental import pallas as pl
from jax.experimental.pallas import tpu as pltpu
from jax.experimental.pallas import tpu_sc as plsc

_VOCAB = 100000
_DIM = 128
_NCLS = 3
_BATCH = 4096
_SEQ = 200
_PAD = 16

_NC = 2
_NS = 16
_NW = _NC * _NS
_BPW = _BATCH // _NW
_TPW = _BPW * _SEQ
_GRP = 2
_CHUNK = _GRP * _SEQ
_NITER = _TPW // _CHUNK
_SPLITS = ((0, 128), (128, 128), (256, 128), (384, 16))
_UNROLL = 8


def _proj_body(t_ref, w_ref, b_ref, o_ref):
    for s in range(8):
        o_ref[:, s * _PAD:(s + 1) * _PAD] = (
            jnp.dot(t_ref[:, s, :], w_ref[...],
                    preferred_element_type=jnp.float32)
            + b_ref[...]
        )


def _project(table3, w_s, b_s):
    blk = 1600
    return pl.pallas_call(
        _proj_body,
        grid=(pl.cdiv(_VOCAB // 8, blk),),
        in_specs=[
            pl.BlockSpec((blk, 8, _DIM), lambda i: (i, 0, 0)),
            pl.BlockSpec((_DIM, _PAD), lambda i: (0, 0)),
            pl.BlockSpec((1, _PAD), lambda i: (0, 0)),
        ],
        out_specs=pl.BlockSpec((blk, 8 * _PAD), lambda i: (i, 0)),
        out_shape=jax.ShapeDtypeStruct((_VOCAB // 8, 8 * _PAD), jnp.float32),
    )(table3, w_s, b_s)


_mesh = plsc.VectorSubcoreMesh(core_axis_name="c", subcore_axis_name="s")

_SUNROLL = 8


@functools.partial(
    pl.kernel,
    mesh=_mesh,
    compiler_params=pltpu.CompilerParams(use_tc_tiling_on_sc=False),
    out_type=jax.ShapeDtypeStruct((_BATCH, _PAD), jnp.float32),
    scratch_types=[
        pltpu.VMEM((_SEQ, _BPW), jnp.int32),
        pltpu.VMEM((_BPW, _PAD), jnp.float32),
        pltpu.SemaphoreType.DMA,
        pltpu.SemaphoreType.DMA,
    ],
)
def _sc_pool(textT_hbm, p_hbm, out_hbm, slab, acc, tsem, gsem):
    wid = lax.axis_index("s") * _NC + lax.axis_index("c")
    b0 = wid * _BPW

    pltpu.make_async_copy(
        textT_hbm.at[:, pl.ds(b0, _BPW)], slab, tsem
    ).start()

    zero = jnp.zeros((_PAD,), jnp.float32)
    def zbody(i, carry):
        acc[i, :] = zero
        return carry
    lax.fori_loop(0, _BPW, zbody, 0)

    pltpu.make_async_copy(
        textT_hbm.at[:, pl.ds(b0, _BPW)], slab, tsem
    ).wait()

    def fire(j, carry):
        for u in range(_SUNROLL):
            pltpu.make_async_copy(
                p_hbm.at[slab.at[j * _SUNROLL + u]], acc, gsem
            ).start(add=True)
        return carry
    lax.fori_loop(0, _SEQ // _SUNROLL, fire, 0)

    def drain(j, carry):
        for u in range(_SUNROLL):
            pltpu.make_async_copy(
                p_hbm.at[slab.at[j * _SUNROLL + u]], acc, gsem
            ).wait()
        return carry
    lax.fori_loop(0, _SEQ // _SUNROLL, drain, 0)

    pltpu.sync_copy(acc, out_hbm.at[pl.ds(b0, _BPW)])


def kernel(text, table, W, b):
    inv = jnp.float32(1.0 / _SEQ)
    w_s = jnp.pad(W, ((0, 0), (0, _PAD - _NCLS))) * inv
    b_s = (jnp.pad(b, (0, _PAD - _NCLS)) * inv).reshape(1, _PAD)
    table3 = table.reshape(_VOCAB // 8, 8, _DIM)
    p = _project(table3, w_s, b_s).reshape(_VOCAB, _PAD)
    out = _sc_pool(text.astype(jnp.int32).T, p)
    return out[:, :_NCLS]

# --- scband reference (transcript-rebuilt; emitter-appended) ---
"""Pipeline reference for scband-text-classification-model-31379031065332 (READ-ONLY COPY).

The authoritative reference and input builder live on the scoring server;
editing this copy changes nothing except your own understanding.
"""

import jax, jax.numpy as jnp
import numpy as np

VOCAB = 100000
EMBED_DIM = 128
NUM_CLASS = 3
BATCH = 4096
SEQ = 200

def setup_inputs(seed: int = 0) -> dict:
    key = jax.random.key(seed)
    k_text, k_tab, k_w, k_b = jax.random.split(key, 4)
    text = jax.random.randint(k_text, (BATCH, SEQ), 0, VOCAB, dtype=jnp.int64 if jax.config.jax_enable_x64 else jnp.int32)
    table = jax.random.normal(k_tab, (VOCAB, EMBED_DIM), dtype=jnp.float32)
    W = jax.random.normal(k_w, (EMBED_DIM, NUM_CLASS), dtype=jnp.float32) * (1.0 / np.sqrt(EMBED_DIM))
    b = jnp.zeros((NUM_CLASS,), dtype=jnp.float32)
    return {"text": text, "table": table, "W": W, "b": b}

def reference(text, table, W, b):
    # embedding lookup: gather rows from table
    embedded = jnp.take(table, text, axis=0)  # [B, L, D]
    pooled = embedded.mean(axis=1)            # [B, D]
    logits = pooled @ W + b                   # [B, num_class]
    return logits

if __name__ == "__main__":
    import jax
    _d = setup_inputs()
    print(jax.jit(kernel)(*tuple(_d.values())))

</pallas_src>

<mosaic_0001>
#map = affine_map<(d0, d1) -> (0, 0)>
module attributes {stable_mosaic.version = 14 : i64} {
  func.func @_sc_pool(%arg0: i32, %arg1: i32, %arg2: memref<200x4096xi32, #tpu.memory_space<hbm>>, %arg3: memref<100000x16xf32, #tpu.memory_space<hbm>>, %arg4: memref<4096x16xf32, #tpu.memory_space<hbm>>, %arg5: memref<200x128xi32, #tpu.memory_space<vmem>>, %arg6: memref<128x16xf32, #tpu.memory_space<vmem>>, %arg7: memref<!tpu.dma_semaphore, #tpu.memory_space<semaphore_mem>>, %arg8: memref<!tpu.dma_semaphore, #tpu.memory_space<semaphore_mem>>) attributes {dimension_semantics = [#tpu.dimension_semantics<core_parallel>, #tpu.dimension_semantics<subcore_parallel>], iteration_bounds = array<i64: 2, 16>, scalar_prefetch = 0 : i64, scratch_operands = 4 : i64, tpu.core_type = #tpu.core_type<sc_vector_subcore>, window_params = [{transform_indices = #map}, {transform_indices = #map}, {transform_indices = #map}]} {
    %mul3A = arith.constant 2 : i32
    %mul3A_0 = arith.muli %arg1, %mul3A : i32
    %add3A = arith.addi %mul3A_0, %arg0 : i32
    %mul3A_1 = arith.constant 128 : i32
    %mul3A_2 = arith.muli %add3A, %mul3A_1 : i32
    %dma_start3A = arith.constant 0 : i32
    %dma_start3A_3 = tpu.memref_slice %arg2[%dma_start3A, %mul3A_2] : memref<200x4096xi32, #tpu.memory_space<hbm>> -> memref<200x128xi32, #tpu.memory_space<hbm>>
    %dma_start3A_4 = arith.constant 0 : i32
    %dma_start3A_5 = tpu.memref_slice %arg2[%dma_start3A_4, %mul3A_2] : memref<200x4096xi32, #tpu.memory_space<hbm>> -> memref<200x128xi32, #tpu.memory_space<hbm>>
    tpu.enqueue_dma source(%dma_start3A_5 : memref<200x128xi32, #tpu.memory_space<hbm>>) target(%arg5 : memref<200x128xi32, #tpu.memory_space<vmem>>) target_semaphore(%arg7 : memref<!tpu.dma_semaphore, #tpu.memory_space<semaphore_mem>>)
    %broadcast_in_dim3A = arith.constant 0.000000e+00 : f32
    %broadcast_in_dim3A_6 = vector.broadcast %broadcast_in_dim3A : f32 to vector<16xf32>
    %scan3A = arith.constant 0 : i32
    %scan3A_7 = arith.constant 0 : i32
    %scan3A_8 = arith.constant 128 : i32
    %scan3A_9 = arith.addi %scan3A_7, %scan3A_8 : i32
    %scan3A_10 = arith.constant 1 : i32
    scf.for %scan3A_27 = %scan3A_7 to %scan3A_9 step %scan3A_10  : i32 {
      %swap3A = arith.index_cast %scan3A_27 : i32 to index
      %swap3A_28 = arith.constant 0 : index
      %swap3A_29 = tpu.vector_load %arg6[%swap3A, %swap3A_28] {strides = array<i32>} : memref<128x16xf32, #tpu.memory_space<vmem>>, vector<1x16xf32>,
      %swap3A_30 = vector.shape_cast %swap3A_29 : vector<1x16xf32> to vector<16xf32>
      %swap3A_31 = vector.shape_cast %broadcast_in_dim3A_6 : vector<16xf32> to vector<1x16xf32>
      tpu.vector_store %arg6[%swap3A, %swap3A_28], %swap3A_31 {strides = array<i32>} : memref<128x16xf32, #tpu.memory_space<vmem>>, vector<1x16xf32>,
    }
    %scan3A_11 = arith.constant 128 : i32
    %dma_wait3A = arith.constant 0 : i32
    %dma_wait3A_12 = tpu.memref_slice %arg2[%dma_wait3A, %mul3A_2] : memref<200x4096xi32, #tpu.memory_space<hbm>> -> memref<200x128xi32, #tpu.memory_space<hbm>>
    %dma_wait3A_13 = arith.constant 0 : i32
    %dma_wait3A_14 = tpu.memref_slice %arg2[%dma_wait3A_13, %mul3A_2] : memref<200x4096xi32, #tpu.memory_space<hbm>> -> memref<200x128xi32, #tpu.memory_space<hbm>>
    tpu.wait_dma2 semaphore(%arg7 : memref<!tpu.dma_semaphore, #tpu.memory_space<semaphore_mem>>) src(%dma_wait3A_14 : memref<200x128xi32, #tpu.memory_space<hbm>>) dst(%arg5 : memref<200x128xi32, #tpu.memory_space<vmem>>)
    %scan3A_15 = arith.constant 0 : i32
    %scan3A_16 = arith.constant 0 : i32
    %scan3A_17 = arith.constant 25 : i32
    %scan3A_18 = arith.addi %scan3A_16, %scan3A_17 : i32
    %scan3A_19 = arith.constant 1 : i32
    scf.for %scan3A_27 = %scan3A_16 to %scan3A_18 step %scan3A_19  : i32 {
      %mul3A_28 = arith.constant 8 : i32
      %mul3A_29 = arith.muli %scan3A_27, %mul3A_28 : i32
      %add3A_30 = arith.constant 0 : i32
      %add3A_31 = arith.addi %mul3A_29, %add3A_30 : i32
      %dma_start3A_32 = arith.constant 0 : i32
      %dma_start3A_33 = tpu.memref_slice %arg5[%add3A_31, %dma_start3A_32] : memref<200x128xi32, #tpu.memory_space<vmem>> -> memref<1x128xi32, #tpu.memory_space<vmem>>
      %dma_start3A_34 = tpu.memref_squeeze %dma_start3A_33 : memref<1x128xi32, #tpu.memory_space<vmem>> -> memref<128xi32, #tpu.memory_space<vmem>>
      %dma_start3A_35 = arith.constant 0 : i32
      %dma_start3A_36 = arith.constant 0 : i32
      %dma_start3A_37 = tpu.memref_slice %arg3[%dma_start3A_35, %dma_start3A_36] : memref<100000x16xf32, #tpu.memory_space<hbm>> -> memref<100000x16xf32, #tpu.memory_space<hbm>>
      tpu.enqueue_indirect_dma source(%dma_start3A_37 : memref<100000x16xf32, #tpu.memory_space<hbm>>) target(%arg6 : memref<128x16xf32, #tpu.memory_space<vmem>>) offsets(%dma_start3A_34 : memref<128xi32, #tpu.memory_space<vmem>>) semaphore(%arg8 : memref<!tpu.dma_semaphore, #tpu.memory_space<semaphore_mem>>) {add = true}
      %mul3A_38 = arith.constant 8 : i32
      %mul3A_39 = arith.muli %scan3A_27, %mul3A_38 : i32
      %add3A_40 = arith.constant 1 : i32
      %add3A_41 = arith.addi %mul3A_39, %add3A_40 : i32
      %dma_start3A_42 = arith.constant 0 : i32
      %dma_start3A_43 = tpu.memref_slice %arg5[%add3A_41, %dma_start3A_42] : memref<200x128xi32, #tpu.memory_space<vmem>> -> memref<1x128xi32, #tpu.memory_space<vmem>>
      %dma_start3A_44 = tpu.memref_squeeze %dma_start3A_43 : memref<1x128xi32, #tpu.memory_space<vmem>> -> memref<128xi32, #tpu.memory_space<vmem>>
      %dma_start3A_45 = arith.constant 0 : i32
      %dma_start3A_46 = arith.constant 0 : i32
      %dma_start3A_47 = tpu.memref_slice %arg3[%dma_start3A_45, %dma_start3A_46] : memref<100000x16xf32, #tpu.memory_space<hbm>> -> memref<100000x16xf32, #tpu.memory_space<hbm>>
      tpu.enqueue_indirect_dma source(%dma_start3A_47 : memref<100000x16xf32, #tpu.memory_space<hbm>>) target(%arg6 : memref<128x16xf32, #tpu.memory_space<vmem>>) offsets(%dma_start3A_44 : memref<128xi32, #tpu.memory_space<vmem>>) semaphore(%arg8 : memref<!tpu.dma_semaphore, #tpu.memory_space<semaphore_mem>>) {add = true}
      %mul3A_48 = arith.constant 8 : i32
      %mul3A_49 = arith.muli %scan3A_27, %mul3A_48 : i32
      %add3A_50 = arith.constant 2 : i32
      %add3A_51 = arith.addi %mul3A_49, %add3A_50 : i32
      %dma_start3A_52 = arith.constant 0 : i32
      %dma_start3A_53 = tpu.memref_slice %arg5[%add3A_51, %dma_start3A_52] : memref<200x128xi32, #tpu.memory_space<vmem>> -> memref<1x128xi32, #tpu.memory_space<vmem>>
      %dma_start3A_54 = tpu.memref_squeeze %dma_start3A_53 : memref<1x128xi32, #tpu.memory_space<vmem>> -> memref<128xi32, #tpu.memory_space<vmem>>
      %dma_start3A_55 = arith.constant 0 : i32
      %dma_start3A_56 = arith.constant 0 : i32
      %dma_start3A_57 = tpu.memref_slice %arg3[%dma_start3A_55, %dma_start3A_56] : memref<100000x16xf32, #tpu.memory_space<hbm>> -> memref<100000x16xf32, #tpu.memory_space<hbm>>
      tpu.enqueue_indirect_dma source(%dma_start3A_57 : memref<100000x16xf32, #tpu.memory_space<hbm>>) target(%arg6 : memref<128x16xf32, #tpu.memory_space<vmem>>) offsets(%dma_start3A_54 : memref<128xi32, #tpu.memory_space<vmem>>) semaphore(%arg8 : memref<!tpu.dma_semaphore, #tpu.memory_space<semaphore_mem>>) {add = true}
      %mul3A_58 = arith.constant 8 : i32
      %mul3A_59 = arith.muli %scan3A_27, %mul3A_58 : i32
      %add3A_60 = arith.constant 3 : i32
      %add3A_61 = arith.addi %mul3A_59, %add3A_60 : i32
      %dma_start3A_62 = arith.constant 0 : i32
      %dma_start3A_63 = tpu.memref_slice %arg5[%add3A_61, %dma_start3A_62] : memref<200x128xi32, #tpu.memory_space<vmem>> -> memref<1x128xi32, #tpu.memory_space<vmem>>
      %dma_start3A_64 = tpu.memref_squeeze %dma_start3A_63 : memref<1x128xi32, #tpu.memory_space<vmem>> -> memref<128xi32, #tpu.memory_space<vmem>>
      %dma_start3A_65 = arith.constant 0 : i32
      %dma_start3A_66 = arith.constant 0 : i32
      %dma_start3A_67 = tpu.memref_slice %arg3[%dma_start3A_65, %dma_start3A_66] : memref<100000x16xf32, #tpu.memory_space<hbm>> -> memref<100000x16xf32, #tpu.memory_space<hbm>>
      tpu.enqueue_indirect_dma source(%dma_start3A_67 : memref<100000x16xf32, #tpu.memory_space<hbm>>) target(%arg6 : memref<128x16xf32, #tpu.memory_space<vmem>>) offsets(%dma_start3A_64 : memref<128xi32, #tpu.memory_space<vmem>>) semaphore(%arg8 : memref<!tpu.dma_semaphore, #tpu.memory_space<semaphore_mem>>) {add = true}
      %mul3A_68 = arith.constant 8 : i32
      %mul3A_69 = arith.muli %scan3A_27, %mul3A_68 : i32
      %add3A_70 = arith.constant 4 : i32
      %add3A_71 = arith.addi %mul3A_69, %add3A_70 : i32
      %dma_start3A_72 = arith.constant 0 : i32
      %dma_start3A_73 = tpu.memref_slice %arg5[%add3A_71, %dma_start3A_72] : memref<200x128xi32, #tpu.memory_space<vmem>> -> memref<1x128xi32, #tpu.memory_space<vmem>>
      %dma_start3A_74 = tpu.memref_squeeze %dma_start3A_73 : memref<1x128xi32, #tpu.memory_space<vmem>> -> memref<128xi32, #tpu.memory_space<vmem>>
      %dma_start3A_75 = arith.constant 0 : i32
      %dma_start3A_76 = arith.constant 0 : i32
      %dma_start3A_77 = tpu.memref_slice %arg3[%dma_start3A_75, %dma_start3A_76] : memref<100000x16xf32, #tpu.memory_space<hbm>> -> memref<100000x16xf32, #tpu.memory_space<hbm>>
      tpu.enqueue_indirect_dma source(%dma_start3A_77 : memref<100000x16xf32, #tpu.memory_space<hbm>>) target(%arg6 : memref<128x16xf32, #tpu.memory_space<vmem>>) offsets(%dma_start3A_74 : memref<128xi32, #tpu.memory_space<vmem>>) semaphore(%arg8 : memref<!tpu.dma_semaphore, #tpu.memory_space<semaphore_mem>>) {add = true}
      %mul3A_78 = arith.constant 8 : i32
      %mul3A_79 = arith.muli %scan3A_27, %mul3A_78 : i32
      %add3A_80 = arith.constant 5 : i32
      %add3A_81 = arith.addi %mul3A_79, %add3A_80 : i32
      %dma_start3A_82 = arith.constant 0 : i32
      %dma_start3A_83 = tpu.memref_slice %arg5[%add3A_81, %dma_start3A_82] : memref<200x128xi32, #tpu.memory_space<vmem>> -> memref<1x128xi32, #tpu.memory_space<vmem>>
      %dma_start3A_84 = tpu.memref_squeeze %dma_start3A_83 : memref<1x128xi32, #tpu.memory_space<vmem>> -> memref<128xi32, #tpu.memory_space<vmem>>
      %dma_start3A_85 = arith.constant 0 : i32
      %dma_start3A_86 = arith.constant 0 : i32
      %dma_start3A_87 = tpu.memref_slice %arg3[%dma_start3A_85, %dma_start3A_86] : memref<100000x16xf32, #tpu.memory_space<hbm>> -> memref<100000x16xf32, #tpu.memory_space<hbm>>
      tpu.enqueue_indirect_dma source(%dma_start3A_87 : memref<100000x16xf32, #tpu.memory_space<hbm>>) target(%arg6 : memref<128x16xf32, #tpu.memory_space<vmem>>) offsets(%dma_start3A_84 : memref<128xi32, #tpu.memory_space<vmem>>) semaphore(%arg8 : memref<!tpu.dma_semaphore, #tpu.memory_space<semaphore_mem>>) {add = true}
      %mul3A_88 = arith.constant 8 : i32
      %mul3A_89 = arith.muli %scan3A_27, %mul3A_88 : i32
      %add3A_90 = arith.constant 6 : i32
      %add3A_91 = arith.addi %mul3A_89, %add3A_90 : i32
      %dma_start3A_92 = arith.constant 0 : i32
      %dma_start3A_93 = tpu.memref_slice %arg5[%add3A_91, %dma_start3A_92] : memref<200x128xi32, #tpu.memory_space<vmem>> -> memref<1x128xi32, #tpu.memory_space<vmem>>
      %dma_start3A_94 = tpu.memref_squeeze %dma_start3A_93 : memref<1x128xi32, #tpu.memory_space<vmem>> -> memref<128xi32, #tpu.memory_space<vmem>>
      %dma_start3A_95 = arith.constant 0 : i32
      %dma_start3A_96 = arith.constant 0 : i32
      %dma_start3A_97 = tpu.memref_slice %arg3[%dma_start3A_95, %dma_start3A_96] : memref<100000x16xf32, #tpu.memory_space<hbm>> -> memref<100000x16xf32, #tpu.memory_space<hbm>>
      tpu.enqueue_indirect_dma source(%dma_start3A_97 : memref<100000x16xf32, #tpu.memory_space<hbm>>) target(%arg6 : memref<128x16xf32, #tpu.memory_space<vmem>>) offsets(%dma_start3A_94 : memref<128xi32, #tpu.memory_space<vmem>>) semaphore(%arg8 : memref<!tpu.dma_semaphore, #tpu.memory_space<semaphore_mem>>) {add = true}
      %mul3A_98 = arith.constant 8 : i32
      %mul3A_99 = arith.muli %scan3A_27, %mul3A_98 : i32
      %add3A_100 = arith.constant 7 : i32
      %add3A_101 = arith.addi %mul3A_99, %add3A_100 : i32
      %dma_start3A_102 = arith.constant 0 : i32
      %dma_start3A_103 = tpu.memref_slice %arg5[%add3A_101, %dma_start3A_102] : memref<200x128xi32, #tpu.memory_space<vmem>> -> memref<1x128xi32, #tpu.memory_space<vmem>>
      %dma_start3A_104 = tpu.memref_squeeze %dma_start3A_103 : memref<1x128xi32, #tpu.memory_space<vmem>> -> memref<128xi32, #tpu.memory_space<vmem>>
      %dma_start3A_105 = arith.constant 0 : i32
      %dma_start3A_106 = arith.constant 0 : i32
      %dma_start3A_107 = tpu.memref_slice %arg3[%dma_start3A_105, %dma_start3A_106] : memref<100000x16xf32, #tpu.memory_space<hbm>> -> memref<100000x16xf32, #tpu.memory_space<hbm>>
      tpu.enqueue_indirect_dma source(%dma_start3A_107 : memref<100000x16xf32, #tpu.memory_space<hbm>>) target(%arg6 : memref<128x16xf32, #tpu.memory_space<vmem>>) offsets(%dma_start3A_104 : memref<128xi32, #tpu.memory_space<vmem>>) semaphore(%arg8 : memref<!tpu.dma_semaphore, #tpu.memory_space<semaphore_mem>>) {add = true}
    }
    %scan3A_20 = arith.constant 25 : i32
    %scan3A_21 = arith.constant 0 : i32
    %scan3A_22 = arith.constant 0 : i32
    %scan3A_23 = arith.constant 25 : i32
    %scan3A_24 = arith.addi %scan3A_22, %scan3A_23 : i32
    %scan3A_25 = arith.constant 1 : i32
    scf.for %scan3A_27 = %scan3A_22 to %scan3A_24 step %scan3A_25  : i32 {
      %mul3A_28 = arith.constant 8 : i32
      %mul3A_29 = arith.muli %scan3A_27, %mul3A_28 : i32
      %add3A_30 = arith.constant 0 : i32
      %add3A_31 = arith.addi %mul3A_29, %add3A_30 : i32
      %dma_wait3A_32 = arith.constant 0 : i32
      %dma_wait3A_33 = tpu.memref_slice %arg5[%add3A_31, %dma_wait3A_32] : memref<200x128xi32, #tpu.memory_space<vmem>> -> memref<1x128xi32, #tpu.memory_space<vmem>>
      %dma_wait3A_34 = tpu.memref_squeeze %dma_wait3A_33 : memref<1x128xi32, #tpu.memory_space<vmem>> -> memref<128xi32, #tpu.memory_space<vmem>>
      %dma_wait3A_35 = arith.constant 0 : i32
      %dma_wait3A_36 = arith.constant 0 : i32
      %dma_wait3A_37 = tpu.memref_slice %arg3[%dma_wait3A_35, %dma_wait3A_36] : memref<100000x16xf32, #tpu.memory_space<hbm>> -> memref<100000x16xf32, #tpu.memory_space<hbm>>
      tpu.wait_indirect_dma semaphore(%arg8 : memref<!tpu.dma_semaphore, #tpu.memory_space<semaphore_mem>>) src(%dma_wait3A_37 : memref<100000x16xf32, #tpu.memory_space<hbm>>) dst(%arg6 : memref<128x16xf32, #tpu.memory_space<vmem>>)
      %mul3A_38 = arith.constant 8 : i32
      %mul3A_39 = arith.muli %scan3A_27, %mul3A_38 : i32
      %add3A_40 = arith.constant 1 : i32
      %add3A_41 = arith.addi %mul3A_39, %add3A_40 : i32
      %dma_wait3A_42 = arith.constant 0 : i32
      %dma_wait3A_43 = tpu.memref_slice %arg5[%add3A_41, %dma_wait3A_42] : memref<200x128xi32, #tpu.memory_space<vmem>> -> memref<1x128xi32, #tpu.memory_space<vmem>>
      %dma_wait3A_44 = tpu.memref_squeeze %dma_wait3A_43 : memref<1x128xi32, #tpu.memory_space<vmem>> -> memref<128xi32, #tpu.memory_space<vmem>>
      %dma_wait3A_45 = arith.constant 0 : i32
      %dma_wait3A_46 = arith.constant 0 : i32
      %dma_wait3A_47 = tpu.memref_slice %arg3[%dma_wait3A_45, %dma_wait3A_46] : memref<100000x16xf32, #tpu.memory_space<hbm>> -> memref<100000x16xf32, #tpu.memory_space<hbm>>
      tpu.wait_indirect_dma semaphore(%arg8 : memref<!tpu.dma_semaphore, #tpu.memory_space<semaphore_mem>>) src(%dma_wait3A_47 : memref<100000x16xf32, #tpu.memory_space<hbm>>) dst(%arg6 : memref<128x16xf32, #tpu.memory_space<vmem>>)
      %mul3A_48 = arith.constant 8 : i32
      %mul3A_49 = arith.muli %scan3A_27, %mul3A_48 : i32
      %add3A_50 = arith.constant 2 : i32
      %add3A_51 = arith.addi %mul3A_49, %add3A_50 : i32
      %dma_wait3A_52 = arith.constant 0 : i32
      %dma_wait3A_53 = tpu.memref_slice %arg5[%add3A_51, %dma_wait3A_52] : memref<200x128xi32, #tpu.memory_space<vmem>> -> memref<1x128xi32, #tpu.memory_space<vmem>>
      %dma_wait3A_54 = tpu.memref_squeeze %dma_wait3A_53 : memref<1x128xi32, #tpu.memory_space<vmem>> -> memref<128xi32, #tpu.memory_space<vmem>>
      %dma_wait3A_55 = arith.constant 0 : i32
      %dma_wait3A_56 = arith.constant 0 : i32
      %dma_wait3A_57 = tpu.memref_slice %arg3[%dma_wait3A_55, %dma_wait3A_56] : memref<100000x16xf32, #tpu.memory_space<hbm>> -> memref<100000x16xf32, #tpu.memory_space<hbm>>
      tpu.wait_indirect_dma semaphore(%arg8 : memref<!tpu.dma_semaphore, #tpu.memory_space<semaphore_mem>>) src(%dma_wait3A_57 : memref<100000x16xf32, #tpu.memory_space<hbm>>) dst(%arg6 : memref<128x16xf32, #tpu.memory_space<vmem>>)
      %mul3A_58 = arith.constant 8 : i32
      %mul3A_59 = arith.muli %scan3A_27, %mul3A_58 : i32
      %add3A_60 = arith.constant 3 : i32
      %add3A_61 = arith.addi %mul3A_59, %add3A_60 : i32
      %dma_wait3A_62 = arith.constant 0 : i32
      %dma_wait3A_63 = tpu.memref_slice %arg5[%add3A_61, %dma_wait3A_62] : memref<200x128xi32, #tpu.memory_space<vmem>> -> memref<1x128xi32, #tpu.memory_space<vmem>>
      %dma_wait3A_64 = tpu.memref_squeeze %dma_wait3A_63 : memref<1x128xi32, #tpu.memory_space<vmem>> -> memref<128xi32, #tpu.memory_space<vmem>>
      %dma_wait3A_65 = arith.constant 0 : i32
      %dma_wait3A_66 = arith.constant 0 : i32
      %dma_wait3A_67 = tpu.memref_slice %arg3[%dma_wait3A_65, %dma_wait3A_66] : memref<100000x16xf32, #tpu.memory_space<hbm>> -> memref<100000x16xf32, #tpu.memory_space<hbm>>
      tpu.wait_indirect_dma semaphore(%arg8 : memref<!tpu.dma_semaphore, #tpu.memory_space<semaphore_mem>>) src(%dma_wait3A_67 : memref<100000x16xf32, #tpu.memory_space<hbm>>) dst(%arg6 : memref<128x16xf32, #tpu.memory_space<vmem>>)
      %mul3A_68 = arith.constant 8 : i32
      %mul3A_69 = arith.muli %scan3A_27, %mul3A_68 : i32
      %add3A_70 = arith.constant 4 : i32
      %add3A_71 = arith.addi %mul3A_69, %add3A_70 : i32
      %dma_wait3A_72 = arith.constant 0 : i32
      %dma_wait3A_73 = tpu.memref_slice %arg5[%add3A_71, %dma_wait3A_72] : memref<200x128xi32, #tpu.memory_space<vmem>> -> memref<1x128xi32, #tpu.memory_space<vmem>>
      %dma_wait3A_74 = tpu.memref_squeeze %dma_wait3A_73 : memref<1x128xi32, #tpu.memory_space<vmem>> -> memref<128xi32, #tpu.memory_space<vmem>>
      %dma_wait3A_75 = arith.constant 0 : i32
      %dma_wait3A_76 = arith.constant 0 : i32
      %dma_wait3A_77 = tpu.memref_slice %arg3[%dma_wait3A_75, %dma_wait3A_76] : memref<100000x16xf32, #tpu.memory_space<hbm>> -> memref<100000x16xf32, #tpu.memory_space<hbm>>
      tpu.wait_indirect_dma semaphore(%arg8 : memref<!tpu.dma_semaphore, #tpu.memory_space<semaphore_mem>>) src(%dma_wait3A_77 : memref<100000x16xf32, #tpu.memory_space<hbm>>) dst(%arg6 : memref<128x16xf32, #tpu.memory_space<vmem>>)
      %mul3A_78 = arith.constant 8 : i32
      %mul3A_79 = arith.muli %scan3A_27, %mul3A_78 : i32
      %add3A_80 = arith.constant 5 : i32
      %add3A_81 = arith.addi %mul3A_79, %add3A_80 : i32
      %dma_wait3A_82 = arith.constant 0 : i32
      %dma_wait3A_83 = tpu.memref_slice %arg5[%add3A_81, %dma_wait3A_82] : memref<200x128xi32, #tpu.memory_space<vmem>> -> memref<1x128xi32, #tpu.memory_space<vmem>>
      %dma_wait3A_84 = tpu.memref_squeeze %dma_wait3A_83 : memref<1x128xi32, #tpu.memory_space<vmem>> -> memref<128xi32, #tpu.memory_space<vmem>>
      %dma_wait3A_85 = arith.constant 0 : i32
      %dma_wait3A_86 = arith.constant 0 : i32
      %dma_wait3A_87 = tpu.memref_slice %arg3[%dma_wait3A_85, %dma_wait3A_86] : memref<100000x16xf32, #tpu.memory_space<hbm>> -> memref<100000x16xf32, #tpu.memory_space<hbm>>
      tpu.wait_indirect_dma semaphore(%arg8 : memref<!tpu.dma_semaphore, #tpu.memory_space<semaphore_mem>>) src(%dma_wait3A_87 : memref<100000x16xf32, #tpu.memory_space<hbm>>) dst(%arg6 : memref<128x16xf32, #tpu.memory_space<vmem>>)
      %mul3A_88 = arith.constant 8 : i32
      %mul3A_89 = arith.muli %scan3A_27, %mul3A_88 : i32
      %add3A_90 = arith.constant 6 : i32
      %add3A_91 = arith.addi %mul3A_89, %add3A_90 : i32
      %dma_wait3A_92 = arith.constant 0 : i32
      %dma_wait3A_93 = tpu.memref_slice %arg5[%add3A_91, %dma_wait3A_92] : memref<200x128xi32, #tpu.memory_space<vmem>> -> memref<1x128xi32, #tpu.memory_space<vmem>>
      %dma_wait3A_94 = tpu.memref_squeeze %dma_wait3A_93 : memref<1x128xi32, #tpu.memory_space<vmem>> -> memref<128xi32, #tpu.memory_space<vmem>>
      %dma_wait3A_95 = arith.constant 0 : i32
      %dma_wait3A_96 = arith.constant 0 : i32
      %dma_wait3A_97 = tpu.memref_slice %arg3[%dma_wait3A_95, %dma_wait3A_96] : memref<100000x16xf32, #tpu.memory_space<hbm>> -> memref<100000x16xf32, #tpu.memory_space<hbm>>
      tpu.wait_indirect_dma semaphore(%arg8 : memref<!tpu.dma_semaphore, #tpu.memory_space<semaphore_mem>>) src(%dma_wait3A_97 : memref<100000x16xf32, #tpu.memory_space<hbm>>) dst(%arg6 : memref<128x16xf32, #tpu.memory_space<vmem>>)
      %mul3A_98 = arith.constant 8 : i32
      %mul3A_99 = arith.muli %scan3A_27, %mul3A_98 : i32
      %add3A_100 = arith.constant 7 : i32
      %add3A_101 = arith.addi %mul3A_99, %add3A_100 : i32
      %dma_wait3A_102 = arith.constant 0 : i32
      %dma_wait3A_103 = tpu.memref_slice %arg5[%add3A_101, %dma_wait3A_102] : memref<200x128xi32, #tpu.memory_space<vmem>> -> memref<1x128xi32, #tpu.memory_space<vmem>>
      %dma_wait3A_104 = tpu.memref_squeeze %dma_wait3A_103 : memref<1x128xi32, #tpu.memory_space<vmem>> -> memref<128xi32, #tpu.memory_space<vmem>>
      %dma_wait3A_105 = arith.constant 0 : i32
      %dma_wait3A_106 = arith.constant 0 : i32
      %dma_wait3A_107 = tpu.memref_slice %arg3[%dma_wait3A_105, %dma_wait3A_106] : memref<100000x16xf32, #tpu.memory_space<hbm>> -> memref<100000x16xf32, #tpu.memory_space<hbm>>
      tpu.wait_indirect_dma semaphore(%arg8 : memref<!tpu.dma_semaphore, #tpu.memory_space<semaphore_mem>>) src(%dma_wait3A_107 : memref<100000x16xf32, #tpu.memory_space<hbm>>) dst(%arg6 : memref<128x16xf32, #tpu.memory_space<vmem>>)
    }
    %scan3A_26 = arith.constant 25 : i32
    "tpu.region"() ({
      %run_scoped3A = tpu.sem_alloc : memref<!tpu.dma_semaphore, #tpu.memory_space<semaphore_mem>>
      %dma_start3A_27 = arith.constant 0 : i32
      %dma_start3A_28 = tpu.memref_slice %arg4[%mul3A_2, %dma_start3A_27] : memref<4096x16xf32, #tpu.memory_space<hbm>> -> memref<128x16xf32, #tpu.memory_space<hbm>>
      %dma_start3A_29 = arith.constant 0 : i32
      %dma_start3A_30 = tpu.memref_slice %arg4[%mul3A_2, %dma_start3A_29] : memref<4096x16xf32, #tpu.memory_space<hbm>> -> memref<128x16xf32, #tpu.memory_space<hbm>>
      tpu.enqueue_dma source(%arg6 : memref<128x16xf32, #tpu.memory_space<vmem>>) target(%dma_start3A_30 : memref<128x16xf32, #tpu.memory_space<hbm>>) target_semaphore(%run_scoped3A : memref<!tpu.dma_semaphore, #tpu.memory_space<semaphore_mem>>)
      %dma_wait3A_31 = arith.constant 0 : i32
      %dma_wait3A_32 = tpu.memref_slice %arg4[%mul3A_2, %dma_wait3A_31] : memref<4096x16xf32, #tpu.memory_space<hbm>> -> memref<128x16xf32, #tpu.memory_space<hbm>>
      %dma_wait3A_33 = arith.constant 0 : i32
      %dma_wait3A_34 = tpu.memref_slice %arg4[%mul3A_2, %dma_wait3A_33] : memref<4096x16xf32, #tpu.memory_space<hbm>> -> memref<128x16xf32, #tpu.memory_space<hbm>>
      tpu.wait_dma2 semaphore(%run_scoped3A : memref<!tpu.dma_semaphore, #tpu.memory_space<semaphore_mem>>) src(%arg6 : memref<128x16xf32, #tpu.memory_space<vmem>>) dst(%dma_wait3A_34 : memref<128x16xf32, #tpu.memory_space<hbm>>)
      tpu.yield
    }) : () -> ()
    return
  }
}

module attributes {stable_mosaic.version = 14 : i64} {
  func.func @_proj_body(%arg0: i32, %arg1: memref<1600x8x128xf32, #tpu.memory_space<vmem>>, %arg2: memref<128x16xf32, #tpu.memory_space<vmem>>, %arg3: memref<1x16xf32, #tpu.memory_space<vmem>>, %arg4: memref<1600x128xf32, #tpu.memory_space<vmem>>) attributes {dimension_semantics = [#tpu.dimension_semantics<arbitrary>], iteration_bounds = array<i64: 8>, scalar_prefetch = 0 : i64, scratch_operands = 0 : i64, tpu.core_type = #tpu.core_type<tc>, window_params = [{transform_indices = @transform_0, window_bounds = array<i64: 1600, 8, 128>}, {pipeline_mode = #tpu.pipeline_mode<synchronous>, transform_indices = @transform_1, window_bounds = array<i64: 128, 16>}, {pipeline_mode = #tpu.pipeline_mode<synchronous>, transform_indices = @transform_2, window_bounds = array<i64: 1, 16>}, {transform_indices = @transform_3, window_bounds = array<i64: 1600, 128>}]} {
    %get3A = arith.constant 0 : index
    %get3A_0 = arith.constant 0 : index
    %get3A_1 = arith.constant 0 : index
    %get3A_2 = vector.load %arg1[%get3A, %get3A_0, %get3A_1] : memref<1600x8x128xf32, #tpu.memory_space<vmem>>, vector<1600x1x128xf32>
    %get3A_3 = vector.shape_cast %get3A_2 : vector<1600x1x128xf32> to vector<1600x128xf32>
    %get3A_4 = arith.constant 0 : index
    %get3A_5 = arith.constant 0 : index
    %get3A_6 = vector.load %arg2[%get3A_4, %get3A_5] : memref<128x16xf32, #tpu.memory_space<vmem>>, vector<128x16xf32>
    %dot_general3A = arith.constant dense<0.000000e+00> : vector<1600x16xf32>
    %dot_general3A_7 = tpu.matmul %get3A_3, %get3A_6, %dot_general3A {dimension_numbers = #tpu.dot_dimension_numbers<[1], [0], [0], [1], [0, 0, 1, 1], [], []>, transpose_lhs_hint = false} : vector<1600x128xf32>, vector<128x16xf32>, vector<1600x16xf32> -> vector<1600x16xf32>
    %get3A_8 = arith.constant 0 : index
    %get3A_9 = arith.constant 0 : index
    %get3A_10 = vector.load %arg3[%get3A_8, %get3A_9] : memref<1x16xf32, #tpu.memory_space<vmem>>, vector<1x16xf32>
    %add3A = vector.broadcast %get3A_10 : vector<1x16xf32> to vector<1600x16xf32>
    %add3A_11 = arith.addf %dot_general3A_7, %add3A : vector<1600x16xf32>
    %swap3A = arith.constant 0 : index
    %swap3A_12 = arith.constant 0 : index
    %swap3A_13 = vector.load %arg4[%swap3A, %swap3A_12] : memref<1600x128xf32, #tpu.memory_space<vmem>>, vector<1600x16xf32>
    tpu.vector_store %arg4[%swap3A, %swap3A_12], %add3A_11 {strides = array<i32>} : memref<1600x128xf32, #tpu.memory_space<vmem>>, vector<1600x16xf32>,
    %get3A_14 = arith.constant 0 : index
    %get3A_15 = arith.constant 1 : index
    %get3A_16 = arith.constant 0 : index
    %get3A_17 = vector.load %arg1[%get3A_14, %get3A_15, %get3A_16] : memref<1600x8x128xf32, #tpu.memory_space<vmem>>, vector<1600x1x128xf32>
    %get3A_18 = vector.shape_cast %get3A_17 : vector<1600x1x128xf32> to vector<1600x128xf32>
    %get3A_19 = arith.constant 0 : index
    %get3A_20 = arith.constant 0 : index
    %get3A_21 = vector.load %arg2[%get3A_19, %get3A_20] : memref<128x16xf32, #tpu.memory_space<vmem>>, vector<128x16xf32>
    %dot_general3A_22 = arith.constant dense<0.000000e+00> : vector<1600x16xf32>
    %dot_general3A_23 = tpu.matmul %get3A_18, %get3A_21, %dot_general3A_22 {dimension_numbers = #tpu.dot_dimension_numbers<[1], [0], [0], [1], [0, 0, 1, 1], [], []>, transpose_lhs_hint = false} : vector<1600x128xf32>, vector<128x16xf32>, vector<1600x16xf32> -> vector<1600x16xf32>
    %get3A_24 = arith.constant 0 : index
    %get3A_25 = arith.constant 0 : index
    %get3A_26 = vector.load %arg3[%get3A_24, %get3A_25] : memref<1x16xf32, #tpu.memory_space<vmem>>, vector<1x16xf32>
    %add3A_27 = vector.broadcast %get3A_26 : vector<1x16xf32> to vector<1600x16xf32>
    %add3A_28 = arith.addf %dot_general3A_23, %add3A_27 : vector<1600x16xf32>
    %swap3A_29 = arith.constant 0 : index
    %swap3A_30 = arith.constant 16 : index
    %swap3A_31 = vector.load %arg4[%swap3A_29, %swap3A_30] : memref<1600x128xf32, #tpu.memory_space<vmem>>, vector<1600x16xf32>
    tpu.vector_store %arg4[%swap3A_29, %swap3A_30], %add3A_28 {strides = array<i32>} : memref<1600x128xf32, #tpu.memory_space<vmem>>, vector<1600x16xf32>,
    %get3A_32 = arith.constant 0 : index
    %get3A_33 = arith.constant 2 : index
    %get3A_34 = arith.constant 0 : index
    %get3A_35 = vector.load %arg1[%get3A_32, %get3A_33, %get3A_34] : memref<1600x8x128xf32, #tpu.memory_space<vmem>>, vector<1600x1x128xf32>
    %get3A_36 = vector.shape_cast %get3A_35 : vector<1600x1x128xf32> to vector<1600x128xf32>
    %get3A_37 = arith.constant 0 : index
    %get3A_38 = arith.constant 0 : index
    %get3A_39 = vector.load %arg2[%get3A_37, %get3A_38] : memref<128x16xf32, #tpu.memory_space<vmem>>, vector<128x16xf32>
    %dot_general3A_40 = arith.constant dense<0.000000e+00> : vector<1600x16xf32>
    %dot_general3A_41 = tpu.matmul %get3A_36, %get3A_39, %dot_general3A_40 {dimension_numbers = #tpu.dot_dimension_numbers<[1], [0], [0], [1], [0, 0, 1, 1], [], []>, transpose_lhs_hint = false} : vector<1600x128xf32>, vector<128x16xf32>, vector<1600x16xf32> -> vector<1600x16xf32>
    %get3A_42 = arith.constant 0 : index
    %get3A_43 = arith.constant 0 : index
    %get3A_44 = vector.load %arg3[%get3A_42, %get3A_43] : memref<1x16xf32, #tpu.memory_space<vmem>>, vector<1x16xf32>
    %add3A_45 = vector.broadcast %get3A_44 : vector<1x16xf32> to vector<1600x16xf32>
    %add3A_46 = arith.addf %dot_general3A_41, %add3A_45 : vector<1600x16xf32>
    %swap3A_47 = arith.constant 0 : index
    %swap3A_48 = arith.constant 32 : index
    %swap3A_49 = vector.load %arg4[%swap3A_47, %swap3A_48] : memref<1600x128xf32, #tpu.memory_space<vmem>>, vector<1600x16xf32>
    tpu.vector_store %arg4[%swap3A_47, %swap3A_48], %add3A_46 {strides = array<i32>} : memref<1600x128xf32, #tpu.memory_space<vmem>>, vector<1600x16xf32>,
    %get3A_50 = arith.constant 0 : index
    %get3A_51 = arith.constant 3 : index
    %get3A_52 = arith.constant 0 : index
    %get3A_53 = vector.load %arg1[%get3A_50, %get3A_51, %get3A_52] : memref<1600x8x128xf32, #tpu.memory_space<vmem>>, vector<1600x1x128xf32>
    %get3A_54 = vector.shape_cast %get3A_53 : vector<1600x1x128xf32> to vector<1600x128xf32>
    %get3A_55 = arith.constant 0 : index
    %get3A_56 = arith.constant 0 : index
    %get3A_57 = vector.load %arg2[%get3A_55, %get3A_56] : memref<128x16xf32, #tpu.memory_space<vmem>>, vector<128x16xf32>
    %dot_general3A_58 = arith.constant dense<0.000000e+00> : vector<1600x16xf32>
    %dot_general3A_59 = tpu.matmul %get3A_54, %get3A_57, %dot_general3A_58 {dimension_numbers = #tpu.dot_dimension_numbers<[1], [0], [0], [1], [0, 0, 1, 1], [], []>, transpose_lhs_hint = false} : vector<1600x128xf32>, vector<128x16xf32>, vector<1600x16xf32> -> vector<1600x16xf32>
    %get3A_60 = arith.constant 0 : index
    %get3A_61 = arith.constant 0 : index
    %get3A_62 = vector.load %arg3[%get3A_60, %get3A_61] : memref<1x16xf32, #tpu.memory_space<vmem>>, vector<1x16xf32>
    %add3A_63 = vector.broadcast %get3A_62 : vector<1x16xf32> to vector<1600x16xf32>
    %add3A_64 = arith.addf %dot_general3A_59, %add3A_63 : vector<1600x16xf32>
    %swap3A_65 = arith.constant 0 : index
    %swap3A_66 = arith.constant 48 : index
    %swap3A_67 = vector.load %arg4[%swap3A_65, %swap3A_66] : memref<1600x128xf32, #tpu.memory_space<vmem>>, vector<1600x16xf32>
    tpu.vector_store %arg4[%swap3A_65, %swap3A_66], %add3A_64 {strides = array<i32>} : memref<1600x128xf32, #tpu.memory_space<vmem>>, vector<1600x16xf32>,
    %get3A_68 = arith.constant 0 : index
    %get3A_69 = arith.constant 4 : index
    %get3A_70 = arith.constant 0 : index
    %get3A_71 = vector.load %arg1[%get3A_68, %get3A_69, %get3A_70] : memref<1600x8x128xf32, #tpu.memory_space<vmem>>, vector<1600x1x128xf32>
    %get3A_72 = vector.shape_cast %get3A_71 : vector<1600x1x128xf32> to vector<1600x128xf32>
    %get3A_73 = arith.constant 0 : index
    %get3A_74 = arith.constant 0 : index
    %get3A_75 = vector.load %arg2[%get3A_73, %get3A_74] : memref<128x16xf32, #tpu.memory_space<vmem>>, vector<128x16xf32>
    %dot_general3A_76 = arith.constant dense<0.000000e+00> : vector<1600x16xf32>
    %dot_general3A_77 = tpu.matmul %get3A_72, %get3A_75, %dot_general3A_76 {dimension_numbers = #tpu.dot_dimension_numbers<[1], [0], [0], [1], [0, 0, 1, 1], [], []>, transpose_lhs_hint = false} : vector<1600x128xf32>, vector<128x16xf32>, vector<1600x16xf32> -> vector<1600x16xf32>
    %get3A_78 = arith.constant 0 : index
    %get3A_79 = arith.constant 0 : index
    %get3A_80 = vector.load %arg3[%get3A_78, %get3A_79] : memref<1x16xf32, #tpu.memory_space<vmem>>, vector<1x16xf32>
    %add3A_81 = vector.broadcast %get3A_80 : vector<1x16xf32> to vector<1600x16xf32>
    %add3A_82 = arith.addf %dot_general3A_77, %add3A_81 : vector<1600x16xf32>
    %swap3A_83 = arith.constant 0 : index
    %swap3A_84 = arith.constant 64 : index
    %swap3A_85 = vector.load %arg4[%swap3A_83, %swap3A_84] : memref<1600x128xf32, #tpu.memory_space<vmem>>, vector<1600x16xf32>
    tpu.vector_store %arg4[%swap3A_83, %swap3A_84], %add3A_82 {strides = array<i32>} : memref<1600x128xf32, #tpu.memory_space<vmem>>, vector<1600x16xf32>,
    %get3A_86 = arith.constant 0 : index
    %get3A_87 = arith.constant 5 : index
    %get3A_88 = arith.constant 0 : index
    %get3A_89 = vector.load %arg1[%get3A_86, %get3A_87, %get3A_88] : memref<1600x8x128xf32, #tpu.memory_space<vmem>>, vector<1600x1x128xf32>
    %get3A_90 = vector.shape_cast %get3A_89 : vector<1600x1x128xf32> to vector<1600x128xf32>
    %get3A_91 = arith.constant 0 : index
    %get3A_92 = arith.constant 0 : index
    %get3A_93 = vector.load %arg2[%get3A_91, %get3A_92] : memref<128x16xf32, #tpu.memory_space<vmem>>, vector<128x16xf32>
    %dot_general3A_94 = arith.constant dense<0.000000e+00> : vector<1600x16xf32>
    %dot_general3A_95 = tpu.matmul %get3A_90, %get3A_93, %dot_general3A_94 {dimension_numbers = #tpu.dot_dimension_numbers<[1], [0], [0], [1], [0, 0, 1, 1], [], []>, transpose_lhs_hint = false} : vector<1600x128xf32>, vector<128x16xf32>, vector<1600x16xf32> -> vector<1600x16xf32>
    %get3A_96 = arith.constant 0 : index
    %get3A_97 = arith.constant 0 : index
    %get3A_98 = vector.load %arg3[%get3A_96, %get3A_97] : memref<1x16xf32, #tpu.memory_space<vmem>>, vector<1x16xf32>
    %add3A_99 = vector.broadcast %get3A_98 : vector<1x16xf32> to vector<1600x16xf32>
    %add3A_100 = arith.addf %dot_general3A_95, %add3A_99 : vector<1600x16xf32>
    %swap3A_101 = arith.constant 0 : index
    %swap3A_102 = arith.constant 80 : index
    %swap3A_103 = vector.load %arg4[%swap3A_101, %swap3A_102] : memref<1600x128xf32, #tpu.memory_space<vmem>>, vector<1600x16xf32>
    tpu.vector_store %arg4[%swap3A_101, %swap3A_102], %add3A_100 {strides = array<i32>} : memref<1600x128xf32, #tpu.memory_space<vmem>>, vector<1600x16xf32>,
    %get3A_104 = arith.constant 0 : index
    %get3A_105 = arith.constant 6 : index
    %get3A_106 = arith.constant 0 : index
    %get3A_107 = vector.load %arg1[%get3A_104, %get3A_105, %get3A_106] : memref<1600x8x128xf32, #tpu.memory_space<vmem>>, vector<1600x1x128xf32>
    %get3A_108 = vector.shape_cast %get3A_107 : vector<1600x1x128xf32> to vector<1600x128xf32>
    %get3A_109 = arith.constant 0 : index
    %get3A_110 = arith.constant 0 : index
    %get3A_111 = vector.load %arg2[%get3A_109, %get3A_110] : memref<128x16xf32, #tpu.memory_space<vmem>>, vector<128x16xf32>
    %dot_general3A_112 = arith.constant dense<0.000000e+00> : vector<1600x16xf32>
    %dot_general3A_113 = tpu.matmul %get3A_108, %get3A_111, %dot_general3A_112 {dimension_numbers = #tpu.dot_dimension_numbers<[1], [0], [0], [1], [0, 0, 1, 1], [], []>, transpose_lhs_hint = false} : vector<1600x128xf32>, vector<128x16xf32>, vector<1600x16xf32> -> vector<1600x16xf32>
    %get3A_114 = arith.constant 0 : index
    %get3A_115 = arith.constant 0 : index
    %get3A_116 = vector.load %arg3[%get3A_114, %get3A_115] : memref<1x16xf32, #tpu.memory_space<vmem>>, vector<1x16xf32>
    %add3A_117 = vector.broadcast %get3A_116 : vector<1x16xf32> to vector<1600x16xf32>
    %add3A_118 = arith.addf %dot_general3A_113, %add3A_117 : vector<1600x16xf32>
    %swap3A_119 = arith.constant 0 : index
    %swap3A_120 = arith.constant 96 : index
    %swap3A_121 = vector.load %arg4[%swap3A_119, %swap3A_120] : memref<1600x128xf32, #tpu.memory_space<vmem>>, vector<1600x16xf32>
    tpu.vector_store %arg4[%swap3A_119, %swap3A_120], %add3A_118 {strides = array<i32>} : memref<1600x128xf32, #tpu.memory_space<vmem>>, vector<1600x16xf32>,
    %get3A_122 = arith.constant 0 : index
    %get3A_123 = arith.constant 7 : index
    %get3A_124 = arith.constant 0 : index
    %get3A_125 = vector.load %arg1[%get3A_122, %get3A_123, %get3A_124] : memref<1600x8x128xf32, #tpu.memory_space<vmem>>, vector<1600x1x128xf32>
    %get3A_126 = vector.shape_cast %get3A_125 : vector<1600x1x128xf32> to vector<1600x128xf32>
    %get3A_127 = arith.constant 0 : index
    %get3A_128 = arith.constant 0 : index
    %get3A_129 = vector.load %arg2[%get3A_127, %get3A_128] : memref<128x16xf32, #tpu.memory_space<vmem>>, vector<128x16xf32>
    %dot_general3A_130 = arith.constant dense<0.000000e+00> : vector<1600x16xf32>
    %dot_general3A_131 = tpu.matmul %get3A_126, %get3A_129, %dot_general3A_130 {dimension_numbers = #tpu.dot_dimension_numbers<[1], [0], [0], [1], [0, 0, 1, 1], [], []>, transpose_lhs_hint = false} : vector<1600x128xf32>, vector<128x16xf32>, vector<1600x16xf32> -> vector<1600x16xf32>
    %get3A_132 = arith.constant 0 : index
    %get3A_133 = arith.constant 0 : index
    %get3A_134 = vector.load %arg3[%get3A_132, %get3A_133] : memref<1x16xf32, #tpu.memory_space<vmem>>, vector<1x16xf32>
    %add3A_135 = vector.broadcast %get3A_134 : vector<1x16xf32> to vector<1600x16xf32>
    %add3A_136 = arith.addf %dot_general3A_131, %add3A_135 : vector<1600x16xf32>
    %swap3A_137 = arith.constant 0 : index
    %swap3A_138 = arith.constant 112 : index
    %swap3A_139 = vector.load %arg4[%swap3A_137, %swap3A_138] : memref<1600x128xf32, #tpu.memory_space<vmem>>, vector<1600x16xf32>
    tpu.vector_store %arg4[%swap3A_137, %swap3A_138], %add3A_136 {strides = array<i32>} : memref<1600x128xf32, #tpu.memory_space<vmem>>, vector<1600x16xf32>,
    return
  }
  func.func @transform_0(%arg0: i32) -> (i32, i32, i32) {
    %c0_i32 = arith.constant 0 : i32
    %c0_i32_0 = arith.constant 0 : i32
    %c0_i32_1 = arith.constant 0 : i32
    return %arg0, %c0_i32, %c0_i32_0 : i32, i32, i32
  }
  func.func @transform_1(%arg0: i32) -> (i32, i32) {
    %c0_i32 = arith.constant 0 : i32
    %c0_i32_0 = arith.constant 0 : i32
    %c0_i32_1 = arith.constant 0 : i32
    return %c0_i32, %c0_i32_0 : i32, i32
  }
  func.func @transform_2(%arg0: i32) -> (i32, i32) {
    %c0_i32 = arith.constant 0 : i32
    %c0_i32_0 = arith.constant 0 : i32
    %c0_i32_1 = arith.constant 0 : i32
    return %c0_i32, %c0_i32_0 : i32, i32
  }
  func.func @transform_3(%arg0: i32) -> (i32, i32) {
    %c0_i32 = arith.constant 0 : i32
    %c0_i32_0 = arith.constant 0 : i32
    return %arg0, %c0_i32 : i32, i32
  }
}

</mosaic_0001>

<sc_bundles>
// kernel: kernel.4.cloned.1.call-start
scs
__scs_entry_jumppad:
0x0: {  	(pc) =	sbr.rel $0x88, $3  }
0x1: {  	(tag) =	ssettag $0x0;
	lr =	simm.s32 $0x1  }
0x2: {  	[smem:$0x3F9D] =	sst lr;
	_ =	strace $0xD0000000  }
0x3: {  	_ = 	snop  }
0x4: {  	_ = 	snop  }
0x5: {  	_ = 	snop  }
0x6: {  	_ = 	snop  }
0x7: {  	_ = 	snop  }
__scs_overlays_trampoline_lowered:
0x8: {  	[smem:$0x3FAC] =	sst s0  }
0x9: {  	[smem:$0x3FAD] =	sst s1  }
0xa: {  	[smem:$0x3FAE] =	sst s2  }
0xb: {  	[smem:$0x3FAF] =	sst s3  }
0xc: {  	[smem:$0x3FB0] =	sst s4  }
0xd: {  	[smem:$0x3FB1] =	sst s5  }
0xe: {  	[smem:$0x3FB2] =	sst s6  }
0xf: {  	[smem:$0x3FB3] =	sst s7  }
0x10: {  	[smem:$0x3FB4] =	sst s8  }
0x11: {  	[smem:$0x3FB5] =	sst s9;
	s0 =	simm.s32 @!p0 $0x0  }
0x12: {  	s1 =	sld [smem:$0x3F9B];
	s0 =	simm.s32 @p0 $0x1  }
0x13: {  	[smem:$0x3FB6] =	sst s0;
	s0 =	simm.s32 @!p1 $0x0  }
0x14: {  	s2 =	sld [smem:$0x3F9A];
	s0 =	simm.s32 @p1 $0x1  }
0x15: {  	[smem:$0x3FB7] =	sst s0;
	s0 =	simm.s32 @!p2 $0x0  }
0x16: {  	s3 =	sld [smem:$0x3FDB];
	s0 =	simm.s32 @p2 $0x1  }
0x17: {  	s4 =	simm.s32 $0x1BF5;
	[smem:$0x3FB9] =	sst s0  }
0x18: {  	s0 =	sld [smem:$0x3F9C];
	_ =	swait.ge [sflag:s4], $0x0  }
0x19: {  	s7 =	sld [smem:$0x3F9D]  }
0x1a: {  	s8 =	sadd.s32 $0xFFFFE003, lr  }
0x1b: {  	s9 =	sadd.s32 $0xFFFFFEF7, lr;
	s5 =	simm.s32 $0xFFFFFFFF;
	p2 =	slt.u32 s8, $0xFFFFF086  }
0x1c: {  	p1 =	slt.u32 s9, $0xF7A;
	s5 =	simm.s32 @!p2 $0x0  }
0x1d: {  	s5 =	simm.s32 @p1 $0x1;
	p0 =	seq.s32 s7, s2  }
0x1e: {  	s7 =	smul.u32 @!p0 $0xF7A, s2;
	p2 =	seq.s32 @!p0 s5, $0x0  }
0x1f: {  	s9 =	smul.u32 $0xF7A, s1;
	s8 =	simm.s32 @!p0 $0x1BF5;
	p2 =	por !p2, p0  }
0x20: {  	[sflag:s8] =	ssyncset.s32 @!p0 $0xFFFFF086;
	s6 =	sadd.s32 @!p0 s3, s7;
	s7 =	simm.s32 @!p0 $0x108  }
0x21: {  	s3 =	sadd.s32 s3, s9;
	s6 =	sadd.s32 @!p0 $0x88, s6;
	s7 =	simm.s32 @p2 $0x1082  }
0x22: {  	[simem:s7], [sflag:s8] =	dma.local @!p0 [hbm:s6], $0xF7A  }
0x23: {  	s9 =	sor.u32 $0xD0000000, s2;
	s6 =	simm.s32 $0x108;
	_ =	swait.ge @!p0 [sflag:s8], $0x0  }
0x24: {  	s3 =	sadd.s32 $0x88, s3;
	s6 =	simm.s32 @!p1 $0x1082;
	[sflag:s4] =	ssyncset.s32 $0xFFFFF086  }
0x25: {  	[simem:s6], [sflag:s4] =	dma.local [hbm:s3], $0xF7A  }
0x26: {  	[smem:$0x3F9D] =	sst s1;
	(tag) =	ssettag s2;
	_ =	strace s9  }
0x27: {  	s1 =	sld [smem:$0x3FAD]  }
0x28: {  	s2 =	sld [smem:$0x3FAE]  }
0x29: {  	s4 =	sld [smem:$0x3FB0]  }
0x2a: {  	p0 =	seq.s32 s5, $0x0;
	s5 =	sld [smem:$0x3FB1]  }
0x2b: {  	s6 =	sld [smem:$0x3FB2]  }
0x2c: {  	s7 =	sld [smem:$0x3FB3]  }
0x2d: {  	s3 =	simm.s32 $0x108;
	s8 =	sld [smem:$0x3FB4]  }
0x2e: {  	s3 =	simm.s32 @!p0 $0x1082;
	s9 =	sld [smem:$0x3FB5]  }
0x2f: {  	lr =	sadd.s32 s0, s3;
	s0 =	sld [smem:$0x3FAC]  }
0x30: {  	s3 =	sld [smem:$0x3FAF]  }
0x31: {  	[smem:$0x3FB8] =	sst s10  }
0x32: {  	s10 =	sld [smem:$0x3FB6];
	_ =	sdelay $0x3  }
0x33: {  	p0 =	seq.s32 s10, $0x1;
	s10 =	sld [smem:$0x3FB8];
	_ =	sdelay $0x3  }
0x34: {  	[smem:$0x3FB8] =	sst s10  }
0x35: {  	s10 =	sld [smem:$0x3FB7];
	_ =	sdelay $0x3  }
0x36: {  	p1 =	seq.s32 s10, $0x1;
	s10 =	sld [smem:$0x3FB8];
	_ =	sdelay $0x3  }
0x37: {  	[smem:$0x3FB8] =	sst s10  }
0x38: {  	s10 =	sld [smem:$0x3FB9]  }
0x39: {  	_ = 	snop;
	(pc) =	sbr.ind lr, $3  }
0x3a: {  	_ = 	snop  }
0x3b: {  	_ = 	snop  }
0x3c: {  	p2 =	seq.s32 s10, $0x1;
	s10 =	sld [smem:$0x3FB8]  }
0x3d: {  	_ =	shalt  }
0x3e: {  	_ =	shalt  }
0x3f: {  	_ =	shalt  }
0x40: {  	_ =	shalt  }
0x41: {  	_ =	shalt  }
0x42: {  	_ =	shalt  }
0x43: {  	_ =	shalt  }
0x44: {  	_ =	shalt  }
0x45: {  	_ =	shalt  }
0x46: {  	_ =	shalt  }
0x47: {  	_ =	shalt  }
0x48: {  	_ =	shalt  }
0x49: {  	_ =	shalt  }
0x4a: {  	_ =	shalt  }
0x4b: {  	_ =	shalt  }
0x4c: {  	_ =	shalt  }
0x4d: {  	_ =	shalt  }
0x4e: {  	_ =	shalt  }
0x4f: {  	_ =	shalt  }
0x50: {  	_ =	shalt  }
0x51: {  	_ =	shalt  }
0x52: {  	_ =	shalt  }
0x53: {  	_ =	shalt  }
0x54: {  	_ =	shalt  }
0x55: {  	_ =	shalt  }
0x56: {  	_ =	shalt  }
0x57: {  	_ =	shalt  }
0x58: {  	_ =	shalt  }
0x59: {  	_ =	shalt  }
0x5a: {  	_ =	shalt  }
0x5b: {  	_ =	shalt  }
0x5c: {  	_ =	shalt  }
0x5d: {  	_ =	shalt  }
0x5e: {  	_ =	shalt  }
0x5f: {  	_ =	shalt  }
0x60: {  	_ =	shalt  }
0x61: {  	_ =	shalt  }
0x62: {  	_ =	shalt  }
0x63: {  	_ =	shalt  }
0x64: {  	_ =	shalt  }
0x65: {  	_ =	shalt  }
0x66: {  	_ =	shalt  }
0x67: {  	_ =	shalt  }
0x68: {  	_ =	shalt  }
0x69: {  	_ =	shalt  }
0x6a: {  	_ =	shalt  }
0x6b: {  	_ =	shalt  }
0x6c: {  	_ =	shalt  }
0x6d: {  	_ =	shalt  }
0x6e: {  	_ =	shalt  }
0x6f: {  	_ =	shalt  }
0x70: {  	_ =	shalt  }
0x71: {  	_ =	shalt  }
0x72: {  	_ =	shalt  }
0x73: {  	_ =	shalt  }
0x74: {  	_ =	shalt  }
0x75: {  	_ =	shalt  }
0x76: {  	_ =	shalt  }
0x77: {  	_ =	shalt  }
0x78: {  	_ =	shalt  }
0x79: {  	_ =	shalt  }
0x7a: {  	_ =	shalt  }
0x7b: {  	_ =	shalt  }
0x7c: {  	_ =	shalt  }
0x7d: {  	_ =	shalt  }
0x7e: {  	_ =	shalt  }
0x7f: {  	_ =	shalt  }
0x80: {  	_ =	shalt  }
0x81: {  	_ =	shalt  }
0x82: {  	_ =	shalt  }
0x83: {  	_ =	shalt  }
0x84: {  	_ =	shalt  }
0x85: {  	_ =	shalt  }
0x86: {  	_ =	shalt  }
0x87: {  	_ =	shalt  }
.Lfunc_end0:
.L_simem_size_0:
called_computation_lowered:
.L_overlay_start_0:
0x88: {  	s2 =	sld [smem:$0x3FD9]  }
0x89: {  	s3 =	sld [smem:$0x3FFE];
	_ =	sdelay $0x1  }
0x8a: {  	s1 =	srdreg.scid  }
0x8b: {  	s0 =	sand.u32 $0x1, s1  }
0x8c: {  	s16 =	sshll.u32 s0, $0xA;
	s2 =	sadd.s32 s3, s2  }
0x8d: {  	s2 =	sadd.s32 s2, s16  }
0x8e: {  	[smem:$0x3FC4] =	sst s2  }
0x8f: {  	_ = 	snop  }
0x90: {  	(tm) =	ssettm $0x1  }
0x91: {  	s17 =	sld [smem:$0x3FFB];
	_ =	sdelay $0x3  }
0x92: {  	_ =	strace s17  }
0x93: {  	s2 =	sld [smem:$0x3FFC];
	_ =	sdelay $0x3  }
0x94: {  	_ =	strace s2  }
0x95: {  	s2 =	sld [smem:$0x3FFD];
	_ =	sdelay $0x3  }
0x96: {  	_ =	strace s2  }
0x97: {  	_ =	strace $0x8FFFFFFF  }
0x98: {  	s18 =	sld [smem:$0x3FDB];
	_ =	sdelay $0x1  }
0x99: {  	s19 =	simm.s32 $_scs_section_size  }
0x9a: {  	s4 =	simm.s32 $_size__tile_overlayer_lowered;
	s5 =	simm.s32 $_tile_overlayer_lowered  }
0x9b: {  	s22 =	simm.s32 $0x1BFF;
	s21 =	sshll.u32 s5, $0x1;
	s2 =	sadd.s32 s19, s18  }
0x9c: {  	s6 =	simm.s32 $0x0;
	s20 =	sshll.u32 s4, $0x1;
	s4 =	sadd.s32 s21, s2  }
0x9d: {  	[timem:s6], [sflag:s22] =	dma.local [hbm:s4], s20  }
0x9e: {  	_ =	swait.ge [sflag:s22], s20  }
0x9f: {  	s3 =	ssub.s32 $0x0, s20;
	[sflag:s22] =	ssyncset.done $0x0  }
0xa0: {  	[sflag:s22] =	ssyncadd.s32 s3;
	_ =	sdelay $0x1  }
0xa1: {  	s23 =	simm.s32 $0x1B8B  }
0xa2: {  	_ =	swait.ge [sflag:s23], $0x1  }
0xa3: {  	[sflag:s23] =	ssyncset.done $0x0  }
0xa4: {  	s25 =	simm.s32 $0x1B8E;
	s24 =	sld [smem:$0x3FFE];
	[sflag:s23] =	ssyncadd.s32 $0xFFFFFFFF  }
0xa5: {  	s26 =	simm.s32 $execute0_lowered;
	[smem:$0x3FD2] =	sst s25  }
0xa6: {  	s4 =	sshll.u32 s26, $0x1;
	_ =	strace $0x80000046;
	[dreg:$0x1] =	wrdreg $0xFFFFFFFF  }
0xa7: {  	s28 =	simm.s32 $_size_execute0_lowered;
	s2 =	sadd.s32 s2, s4;
	[dreg:$0x0] =	wrdreg $0x0  }
0xa8: {  	s4 =	sshll.u32 s28, $0x1;
	[dreg:$0x2] =	wrdreg s2  }
0xa9: {  	[dreg:$0x3] =	wrdreg s4  }
0xaa: {  	[dreg:$0x4] =	wrdreg $0xC0  }
0xab: {  	_ =	task [dreg:s6], $0x5FFFF  }
0xac: {  	[dreg:$0x1] =	wrdreg $0xFFFFFFFF  }
0xad: {  	[dreg:$0x0] =	wrdreg $0x60  }
0xae: {  	[dreg:$0x2] =	wrdreg s24  }
0xaf: {  	[dreg:$0x3] =	wrdreg $0x9  }
0xb0: {  	_ =	task.clear_ibuf [dreg:s6], $0x4FFFF;
	_ =	strace $0x90000046  }
0xb1: {  	s29 =	simm.s32 $0x9;
	_ =	strace $0x80000048  }
0xb2: {  	_ =	swait.ge [sflag:s29], $0x1  }
0xb3: {  	[sflag:s29] =	ssyncadd.s32 $0xFFFFFFFF  }
0xb4: {  	_ =	strace $0x90000048  }
0xb5: {  	_ =	sfence  }
0xb6: {  	s30 =	sld [smem:$0x0];
	_ =	sdelay $0x2  }
0xb7: {  	s31 =	sshll.u32 s1, $0xD;
	s1 =	sshrl.u32 s1, $0x2  }
0xb8: {  	s3 =	sand.u32 $0x4000, s31;
	s1 =	sadd.s32 s1, s30  }
0xb9: {  	s0 =	sor.u32 s3, s0;
	s1 =	sshll.u32 s1, $0x11  }
0xba: {  	s0 =	sor.u32 s1, s0  }
0xbb: {  	s0 =	sadd.s32 $0x8F2B, s0  }
0xbc: {  	[sflag:s0] =	ssyncadd.remote.s32 $0x1  }
0xbd: {  	_ =	sfence.sel $0xFFFF  }
0xbe: {  	[dreg:$0x0] =	wrdreg $0xFFFFFFFF;
	(pc) =	sbr.abs _section_cstart, $3  }
0xbf: {  	[dreg:$0x1] =	wrdreg $0xFFFFFFFF  }
0xc0: {  	_ =	task.clear_ibuf [dreg:s6], $0x2FFFF;
	_ =	strace $0x9FFFFFFF  }
0xc1: {  	(tm) =	ssettm $0x7FFFFFFF  }
tec
execute0_lowered:
.L_overlay_start_1:
0x0: {  	(tag) =	ssettag $0x1  }
0x1: {  	s1 =	srdreg.scid;
	s0 =	stileid.u32  }
0x2: {  	s4 =	rddreg [dreg:$0x0];
	s2 =	simm.s32 $0x0;
	s9 =	simm.s32 $0x1  }
0x3: {  	s10 =	simm.s32 $0x6400;
	s11 =	simm.s32 $0x2;
	s12 =	simm.s32 $0x3  }
0x4: {  	s13 =	simm.s32 $0x0;
	s3 =	sand.u32 $0x1, s1;
	s1 =	rddreg [dreg:$0x1]  }
0x5: {  	s5 =	sshll.u32 s0, $0x8;
	[smem:$0x7FF] =	sst s2;
	s6 =	sshll.u32 s3, $0x7  }
0x6: {  	_ =	strace $0x80000047;
	s7 =	ssub.s32 $0x2, s3;
	s5 =	sor.u32 s6, s5  }
0x7: {  	s3 =	sadd.s32 $0x19600, s4;
	s8 =	sshrl.u32 s7, $0x1;
	s6 =	sshrl.u32 s5, $0x3  }
0x8: {  	s5 =	sshll.u32 s5, $0x1;
	s7 =	ssub.s32 s7, s8;
	s6 =	sadd.s32 s6, s4  }
0x9: {  	s8 =	simm.s32 $0x1000;
	s5 =	sadd.s32 s5, s4;
	s4 =	sadd.s32 $0x600, s6  }
0xa: {  	v0 =	vimm.f32 $0.0e+00;
	s5 =	sadd.s32 $0x4A400, s5;
	s6 =	smax.u32 s7, $0x1;
	s7 =	simm.s32 $0x80  }
.LBB2_1:
0xb: {  	[tilespmem:s2], [sflag:$0x1] =	stream.strided.gather [hbm4b:s4+s7], $0x6400, s8, s7, $0x38;
	[tilespmem:$0x6C00] =	vst v63  }
0xc: {  	s14 =	simm.s32 $0x40;
	s15 =	simm.s32 $0x0  }
.LBB2_2:
0xd: {  	p0 =	sne.s32 s14, $0x1FC0;
	[tilespmem:s15+$0x6400] =	vst v0;
	s15 =	smov.u32 s14;
	s14 =	sadd.s32 $0x40, s14  }
.Ltmp0:
0xe: {  	(pc) =	sbr.rel @p0 .LBB2_2-.Ltmp0, $2  }
0xf: {  	_ =	sdelay $0x2  }
0x10: {  	s15 =	sshra.s32 s15, $0x2  }
0x11: {  	[tilespmem:s15+$0x6400] =	vst v0  }
0x12: {  	_ =	swait.ge [sflag:s9], $0x6400  }
0x13: {  	[sflag:s9] =	ssyncset.done $0x0  }
0x14: {  	s14 =	simm.s32 $0x0;
	[sflag:s9] =	ssyncadd.s32 $0xFFFF9C00  }
0x15: {  	[tilespmem:s10], [sflag:$0x2] =	stream.indirect.gather.add.f32 [hbm:s3], $0x10, s14, s7, $0xb8;
	[tilespmem:$0x6C00] =	vst v63  }
0x16: {  	s25 =	simm.s32 $0x80  }
0x17: {  	[tilespmem:s10], [sflag:$0x2] =	stream.indirect.gather.add.f32 [hbm:s3], $0x10, s25, s7, $0xb8;
	[tilespmem:$0x6C00] =	vst v63  }
0x18: {  	s26 =	simm.s32 $0x100  }
0x19: {  	[tilespmem:s10], [sflag:$0x2] =	stream.indirect.gather.add.f32 [hbm:s3], $0x10, s26, s7, $0xb8;
	[tilespmem:$0x6C00] =	vst v63  }
0x1a: {  	s28 =	simm.s32 $0x180  }
0x1b: {  	[tilespmem:s10], [sflag:$0x2] =	stream.indirect.gather.add.f32 [hbm:s3], $0x10, s28, s7, $0xb8;
	[tilespmem:$0x6C00] =	vst v63  }
0x1c: {  	s29 =	simm.s32 $0x200  }
0x1d: {  	[tilespmem:s10], [sflag:$0x2] =	stream.indirect.gather.add.f32 [hbm:s3], $0x10, s29, s7, $0xb8;
	[tilespmem:$0x6C00] =	vst v63  }
0x1e: {  	s30 =	simm.s32 $0x280  }
0x1f: {  	[tilespmem:s10], [sflag:$0x2] =	stream.indirect.gather.add.f32 [hbm:s3], $0x10, s30, s7, $0xb8;
	[tilespmem:$0x6C00] =	vst v63  }
0x20: {  	s31 =	simm.s32 $0x300;
	s15 =	simm.s32 $0x380;
	s14 =	simm.s32 $0x1000  }
0x21: {  	[tilespmem:s10], [sflag:$0x2] =	stream.indirect.gather.add.f32 [hbm:s3], $0x10, s31, s7, $0xb8;
	[tilespmem:$0x6C00] =	vst v63  }
.LBB2_4:
0x22: {  	[tilespmem:s10], [sflag:$0x2] =	stream.indirect.gather.add.f32 [hbm:s3], $0x10, s15, s7, $0xb8;
	[tilespmem:$0x6C00] =	vst v63  }
0x23: {  	s15 =	sshra.s32 s14, $0x2;
	p0 =	sne.s32 s14, $0x18000;
	s14 =	sadd.s32 $0x1000, s14  }
0x24: {  	[tilespmem:s10], [sflag:$0x2] =	stream.indirect.gather.add.f32 [hbm:s3], $0x10, s15, s7, $0xb8;
	[tilespmem:$0x6C00] =	vst v63  }
0x25: {  	s16 =	sadd.s32 $0x80, s15  }
0x26: {  	[tilespmem:s10], [sflag:$0x2] =	stream.indirect.gather.add.f32 [hbm:s3], $0x10, s16, s7, $0xb8;
	[tilespmem:$0x6C00] =	vst v63  }
0x27: {  	s16 =	sadd.s32 $0x100, s15  }
0x28: {  	[tilespmem:s10], [sflag:$0x2] =	stream.indirect.gather.add.f32 [hbm:s3], $0x10, s16, s7, $0xb8;
	[tilespmem:$0x6C00] =	vst v63  }
0x29: {  	s16 =	sadd.s32 $0x180, s15  }
0x2a: {  	[tilespmem:s10], [sflag:$0x2] =	stream.indirect.gather.add.f32 [hbm:s3], $0x10, s16, s7, $0xb8;
	[tilespmem:$0x6C00] =	vst v63  }
0x2b: {  	s16 =	sadd.s32 $0x200, s15  }
0x2c: {  	[tilespmem:s10], [sflag:$0x2] =	stream.indirect.gather.add.f32 [hbm:s3], $0x10, s16, s7, $0xb8;
	[tilespmem:$0x6C00] =	vst v63  }
.Ltmp1:
0x2d: {  	s16 =	sadd.s32 $0x280, s15;
	(pc) =	sbr.rel @p0 .LBB2_4-.Ltmp1, $4  }
0x2e: {  	[tilespmem:s10], [sflag:$0x2] =	stream.indirect.gather.add.f32 [hbm:s3], $0x10, s16, s7, $0xb8;
	[tilespmem:$0x6C00] =	vst v63  }
0x2f: {  	s16 =	sadd.s32 $0x300, s15  }
0x30: {  	[tilespmem:s10], [sflag:$0x2] =	stream.indirect.gather.add.f32 [hbm:s3], $0x10, s16, s7, $0xb8;
	[tilespmem:$0x6C00] =	vst v63  }
0x31: {  	s15 =	sadd.s32 $0x380, s15  }
0x32: {  	[tilespmem:s10], [sflag:$0x2] =	stream.indirect.gather.add.f32 [hbm:s3], $0x10, s15, s7, $0xb8;
	[tilespmem:$0x6C00] =	vst v63  }
0x33: {  	_ =	swait.ge [sflag:s11], $0x800  }
0x34: {  	[sflag:s11] =	ssyncset.done $0x0  }
0x35: {  	[sflag:s11] =	ssyncadd.s32 $0xFFFFF800  }
0x36: {  	_ =	swait.ge [sflag:s11], $0x800  }
0x37: {  	[sflag:s11] =	ssyncset.done $0x0  }
0x38: {  	[sflag:s11] =	ssyncadd.s32 $0xFFFFF800  }
0x39: {  	_ =	swait.ge [sflag:s11], $0x800  }
0x3a: {  	[sflag:s11] =	ssyncset.done $0x0  }
0x3b: {  	[sflag:s11] =	ssyncadd.s32 $0xFFFFF800  }
0x3c: {  	_ =	swait.ge [sflag:s11], $0x800  }
0x3d: {  	[sflag:s11] =	ssyncset.done $0x0  }
0x3e: {  	[sflag:s11] =	ssyncadd.s32 $0xFFFFF800  }
0x3f: {  	_ =	swait.ge [sflag:s11], $0x800  }
0x40: {  	[sflag:s11] =	ssyncset.done $0x0  }
0x41: {  	[sflag:s11] =	ssyncadd.s32 $0xFFFFF800  }
0x42: {  	_ =	swait.ge [sflag:s11], $0x800  }
0x43: {  	[sflag:s11] =	ssyncset.done $0x0  }
0x44: {  	[sflag:s11] =	ssyncadd.s32 $0xFFFFF800  }
0x45: {  	_ =	swait.ge [sflag:s11], $0x800  }
0x46: {  	[sflag:s11] =	ssyncset.done $0x0  }
0x47: {  	[sflag:s11] =	ssyncadd.s32 $0xFFFFF800  }
0x48: {  	_ =	swait.ge [sflag:s11], $0x800  }
0x49: {  	s14 =	simm.s32 $0x18;
	[sflag:s11] =	ssyncset.done $0x0  }
.LBB2_6:
0x4a: {  	p0 =	sne.s32 s14, $0x1;
	s14 =	sadd.s32 $0xFFFFFFFF, s14;
	[sflag:s11] =	ssyncadd.s32 $0xFFFFF800  }
0x4b: {  	_ =	swait.ge [sflag:s11], $0x800  }
0x4c: {  	[sflag:s11] =	ssyncset.done $0x0  }
0x4d: {  	[sflag:s11] =	ssyncadd.s32 $0xFFFFF800  }
0x4e: {  	_ =	swait.ge [sflag:s11], $0x800  }
0x4f: {  	[sflag:s11] =	ssyncset.done $0x0  }
0x50: {  	[sflag:s11] =	ssyncadd.s32 $0xFFFFF800  }
0x51: {  	_ =	swait.ge [sflag:s11], $0x800  }
0x52: {  	[sflag:s11] =	ssyncset.done $0x0  }
0x53: {  	[sflag:s11] =	ssyncadd.s32 $0xFFFFF800  }
0x54: {  	_ =	swait.ge [sflag:s11], $0x800  }
0x55: {  	[sflag:s11] =	ssyncset.done $0x0  }
0x56: {  	[sflag:s11] =	ssyncadd.s32 $0xFFFFF800  }
0x57: {  	_ =	swait.ge [sflag:s11], $0x800  }
0x58: {  	[sflag:s11] =	ssyncset.done $0x0  }
0x59: {  	[sflag:s11] =	ssyncadd.s32 $0xFFFFF800  }
0x5a: {  	_ =	swait.ge [sflag:s11], $0x800  }
0x5b: {  	[sflag:s11] =	ssyncset.done $0x0  }
0x5c: {  	[sflag:s11] =	ssyncadd.s32 $0xFFFFF800  }
.Ltmp2:
0x5d: {  	_ =	swait.ge [sflag:s11], $0x800;
	(pc) =	sbr.rel @p0 .LBB2_6-.Ltmp2, $4  }
0x5e: {  	[sflag:s11] =	ssyncset.done $0x0  }
0x5f: {  	[sflag:s11] =	ssyncadd.s32 $0xFFFFF800  }
0x60: {  	_ =	swait.ge [sflag:s11], $0x800  }
0x61: {  	[sflag:s11] =	ssyncset.done $0x0  }
0x62: {  	s13 =	sadd.s32 $0x1, s13  }
0x63: {  	p0 =	sne.s32 s13, s6  }
.Ltmp3:
0x64: {  	[sflag:s11] =	ssyncadd.s32 $0xFFFFF800;
	(pc) =	sbr.rel @p0 .LBB2_1-.Ltmp3, $4  }
0x65: {  	[hbm4b:s5+s2] =	stream.linear.scatter [tilespmem:s10], [sflag:$0x3], $0x800, $0x38;
	[tilespmem:$0x6C00] =	vst v63  }
0x66: {  	_ =	swait.ge [sflag:s12], $0x800  }
0x67: {  	[sflag:s12] =	ssyncset.done $0x0  }
0x68: {  	[sflag:s12] =	ssyncadd.s32 $0xFFFFF800  }
0x69: {  	_ =	sfence.sel $0x180000  }
0x6a: {  	[bflag:$0x0] =	sbarrier.arrive $0xFFFF  }
0x6b: {  	p0 =	sne.s32 s0, $0x0;
	_ =	strace $0x90000047  }
0x6c: {  	s0 =	sadd.s32 @!p0 $0x100000, s1;
	[bflag:$0x2] =	sbarrier.arrive $0xFFFF  }
0x6d: {  	[sflag:s0] =	ssyncadd.tile.s32 @!p0 $0x1;
	_ =	shalt  }
.Lfunc_end2:
_tile_overlayer_lowered:
.L_overlay_start_2:
0x6e: {  	(tag) =	ssettag $0x2  }
0x6f: {  	s0 =	rddreg [dreg:$0x0];
	s2 =	stileid.u32  }
0x70: {  	s1 =	rddreg [dreg:$0x1];
	p0 =	sne.s32 s2, $0x0  }
0x71: {  	s3 =	rddreg [dreg:$0x2];
	[bflag:$0x3] =	sbarrier.arrive $0xFFFF;
	s2 =	simm.s32 @!p0 $0x1C03  }
0x72: {  	[timem:s3], [sflag:s2] =	dma.local @!p0 [hbm:s0], s1  }
0x73: {  	s0 =	simm.s32 @!p0 $0x3  }
0x74: {  	_ =	swait.ge @!p0 [sflag:s0], s1  }
0x75: {  	s1 =	ssub.s32 @!p0 $0x0, s1;
	[sflag:s0] =	ssyncset.done @!p0 $0x0  }
0x76: {  	[sflag:s0] =	ssyncadd.s32 @!p0 s1  }
0x77: {  	[bflag:$0x3] =	sbarrier.arrive $0xFFFF  }
0x78: {  	_ =	shalt  }

</sc_bundles>
